<compile_context>
chip_gen: v7x
topology: tpu7x:2x2x1
jax: 0.10.2.dev20260603
libtpu: 0.0.44.dev20260713+nightly
codegen_flags: <defaults>
</compile_context>

<pallas_src>
import jax
import jax.numpy as jnp
from jax import lax
from jax.experimental import pallas as pl
from jax.experimental.pallas import tpu as pltpu
from jax.experimental.pallas import tpu_sc as plsc

N = 50000
E = 800000
H = 64
D = 16
L = 4
G = 128

NC = 2
NS = 16
HH = H // 2
EB = 80
E_PER_TILE = E // NS
NBLK = E_PER_TILE // EB
N_PER_TILE = N // NS


def _sigmoid(v):
    return 1.0 / (1.0 + jnp.exp(-v))


def _softplus16(v):
    t = jnp.exp(-jnp.abs(v))
    g = t * (1.0 + t * (-0.5 + t * (0.3333333 + t * (-0.25 + t * 0.2))))
    g = g - 1.0 + (1.0 + t) * jnp.exp(-g)
    return g + jnp.maximum(v, 0.0)


def _edge_kernel_body(td_hbm, ts_hbm, c_hbm, dst_hbm, src_hbm, zero_hbm,
                      out_hbm, idx_d, idx_s, idx_dg, idx_sg, rows_d, rows_s,
                      rows_c, msg, acc, sem):
    c = lax.axis_index("c")
    s = lax.axis_index("s")
    cN = c * N

    pltpu.sync_copy(zero_hbm.at[pl.ds(s * N_PER_TILE, N_PER_TILE)],
                    acc.at[pl.ds(s * N_PER_TILE, N_PER_TILE)])
    plsc.subcore_barrier()

    def block(b, carry):
        e0 = s * E_PER_TILE + b * EB
        pltpu.sync_copy(dst_hbm.at[pl.ds(e0, EB)], idx_d)
        pltpu.sync_copy(src_hbm.at[pl.ds(e0, EB)], idx_s)
        for i in range(EB // 16):
            sl = pl.ds(i * 16, 16)
            idx_dg[sl] = idx_d[sl] + cN
            idx_sg[sl] = idx_s[sl] + cN
        gd = pltpu.async_copy(td_hbm.at[idx_dg], rows_d, sem)
        gs = pltpu.async_copy(ts_hbm.at[idx_sg], rows_s, sem)
        pltpu.sync_copy(c_hbm.at[pl.ds(c * E + e0, EB)], rows_c)
        gd.wait()
        gs.wait()

        def edge(i, carry2):
            f0 = rows_d[i, pl.ds(0, 16)] + rows_s[i, pl.ds(0, 16)] + rows_c[i, pl.ds(0, 16)]
            f1 = rows_d[i, pl.ds(16, 16)] + rows_s[i, pl.ds(16, 16)] + rows_c[i, pl.ds(16, 16)]
            s0 = rows_d[i, pl.ds(32, 16)] + rows_s[i, pl.ds(32, 16)] + rows_c[i, pl.ds(32, 16)]
            s1 = rows_d[i, pl.ds(48, 16)] + rows_s[i, pl.ds(48, 16)] + rows_c[i, pl.ds(48, 16)]
            msg[i, pl.ds(0, 16)] = _sigmoid(f0) * _softplus16(s0)
            msg[i, pl.ds(16, 16)] = _sigmoid(f1) * _softplus16(s1)
            return carry2

        lax.fori_loop(0, EB, edge, 0)
        pltpu.sync_copy(msg, acc.at[idx_d], add=True)
        return carry

    lax.fori_loop(0, NBLK, block, 0)
    plsc.subcore_barrier()
    pltpu.sync_copy(acc.at[pl.ds(s * N_PER_TILE, N_PER_TILE)],
                    out_hbm.at[c].at[pl.ds(s * N_PER_TILE, N_PER_TILE)])


@jax.jit
def _edge_pass(td, ts, cc, dst, src, zero):
    k = pl.kernel(
        _edge_kernel_body,
        out_type=jax.ShapeDtypeStruct((NC, N, HH), jnp.float32),
        mesh=plsc.VectorSubcoreMesh(core_axis_name="c", subcore_axis_name="s"),
        compiler_params=pltpu.CompilerParams(use_tc_tiling_on_sc=False),
        scratch_types=[
            pltpu.VMEM((EB,), jnp.int32),
            pltpu.VMEM((EB,), jnp.int32),
            pltpu.VMEM((EB,), jnp.int32),
            pltpu.VMEM((EB,), jnp.int32),
            pltpu.VMEM((EB, 2 * HH), jnp.float32),
            pltpu.VMEM((EB, 2 * HH), jnp.float32),
            pltpu.VMEM((EB, 2 * HH), jnp.float32),
            pltpu.VMEM((EB, HH), jnp.float32),
            pltpu.VMEM_SHARED((N, HH), jnp.float32),
            pltpu.SemaphoreType.DMA,
        ],
    )
    return k(td, ts, cc, dst, src, zero)


def _batchnorm(h, g, b):
    m = h.mean(axis=0)
    v = h.var(axis=0)
    return (h - m) / jnp.sqrt(v + 1e-5) * g + b


def kernel(z, edge_index, edge_attr, batch, emb, Wf, bf, Ws, bs,
           bn1_g, bn1_b, bn2_g, bn2_b, W1, b1, W2, b2):
    x = emb[z]
    src = edge_index[0].astype(jnp.int32)
    dst = edge_index[1].astype(jnp.int32)
    zero = jnp.zeros((N, HH), jnp.float32)

    for l in range(L):
        Wfl, Wsl = Wf[l], Ws[l]
        tf_d = x @ Wfl[:H]
        tf_s = x @ Wfl[H:2 * H]
        ts_d = x @ Wsl[:H]
        ts_s = x @ Wsl[H:2 * H]
        td = jnp.concatenate([
            jnp.concatenate([tf_d[:, :HH], ts_d[:, :HH]], axis=1),
            jnp.concatenate([tf_d[:, HH:], ts_d[:, HH:]], axis=1)], axis=0)
        tsm = jnp.concatenate([
            jnp.concatenate([tf_s[:, :HH], ts_s[:, :HH]], axis=1),
            jnp.concatenate([tf_s[:, HH:], ts_s[:, HH:]], axis=1)], axis=0)
        cf = edge_attr @ Wfl[2 * H:] + bf[l]
        cs = edge_attr @ Wsl[2 * H:] + bs[l]
        cc = jnp.concatenate([
            jnp.concatenate([cf[:, :HH], cs[:, :HH]], axis=1),
            jnp.concatenate([cf[:, HH:], cs[:, HH:]], axis=1)], axis=0)

        out2 = _edge_pass(td, tsm, cc, dst, src, zero)
        agg = jnp.concatenate([out2[0], out2[1]], axis=1)

        x = _batchnorm(agg, bn1_g[l], bn1_b[l]) + x
        x = _batchnorm(x, bn2_g[l], bn2_b[l])
        x = jax.nn.softplus(x)

    sums = jax.ops.segment_sum(x, batch, num_segments=G)
    cnt = jax.ops.segment_sum(jnp.ones((N, 1), dtype=x.dtype), batch, num_segments=G)
    pooled = sums / jnp.maximum(cnt, 1.0)
    h = jax.nn.silu(pooled @ W1 + b1)
    out = (h @ W2 + b2).squeeze(-1)
    return out

# --- scband reference (transcript-rebuilt; emitter-appended) ---
"""Pipeline reference for scband-cgcnn-49383533969986 (READ-ONLY COPY).

The authoritative reference and input builder live on the scoring server;
editing this copy changes nothing except your own understanding.
"""

import jax, jax.numpy as jnp
import numpy as np

N = 50000
E = 800000
H = 64
D = 16
L = 4
G = 128


def setup_inputs(seed: int = 0) -> dict:
    key = jax.random.key(seed)
    ks = jax.random.split(key, 12)
    z = jax.random.randint(ks[0], (N,), 0, 100)
    edge_index = jax.random.randint(ks[1], (2, E), 0, N)
    edge_attr = jax.random.normal(ks[2], (E, D), dtype=jnp.float32)
    batch = jnp.sort(jax.random.randint(ks[3], (N,), 0, G))
    emb = jax.random.normal(ks[4], (100, H), dtype=jnp.float32) * 0.1
    Wf = jax.random.normal(ks[5], (L, 2 * H + D, H), dtype=jnp.float32) * 0.05
    bf = jnp.zeros((L, H), dtype=jnp.float32)
    Ws = jax.random.normal(ks[6], (L, 2 * H + D, H), dtype=jnp.float32) * 0.05
    bs = jnp.zeros((L, H), dtype=jnp.float32)
    bn1_g = jnp.ones((L, H), dtype=jnp.float32)
    bn1_b = jnp.zeros((L, H), dtype=jnp.float32)
    bn2_g = jnp.ones((L, H), dtype=jnp.float32)
    bn2_b = jnp.zeros((L, H), dtype=jnp.float32)
    W1 = jax.random.normal(ks[7], (H, H), dtype=jnp.float32) * 0.05
    b1 = jnp.zeros((H,), dtype=jnp.float32)
    W2 = jax.random.normal(ks[8], (H, 1), dtype=jnp.float32) * 0.05
    b2 = jnp.zeros((1,), dtype=jnp.float32)
    return {"z": z, "edge_index": edge_index, "edge_attr": edge_attr, "batch": batch,
            "emb": emb, "Wf": Wf, "bf": bf, "Ws": Ws, "bs": bs,
            "bn1_g": bn1_g, "bn1_b": bn1_b, "bn2_g": bn2_g, "bn2_b": bn2_b,
            "W1": W1, "b1": b1, "W2": W2, "b2": b2}


def _batchnorm(h, g, b):
    m = h.mean(axis=0)
    v = h.var(axis=0)
    return (h - m) / jnp.sqrt(v + 1e-5) * g + b


def reference(z, edge_index, edge_attr, batch, emb, Wf, bf, Ws, bs, bn1_g, bn1_b, bn2_g, bn2_b, W1, b1, W2, b2):
    x = emb[z]
    src = edge_index[0]
    dst = edge_index[1]
    for l in range(L):
        x_i = x[dst]
        x_j = x[src]
        zc = jnp.concatenate([x_i, x_j, edge_attr], axis=-1)
        msg = jax.nn.sigmoid(zc @ Wf[l] + bf[l]) * jax.nn.softplus(zc @ Ws[l] + bs[l])
        agg = jax.ops.segment_sum(msg, dst, num_segments=N)
        # CGConv internal BatchNorm (training-mode batch stats), then residual
        x = _batchnorm(agg, bn1_g[l], bn1_b[l]) + x
        # outer BatchNorm1d
        x = _batchnorm(x, bn2_g[l], bn2_b[l])
        x = jax.nn.softplus(x)
    sums = jax.ops.segment_sum(x, batch, num_segments=G)
    cnt = jax.ops.segment_sum(jnp.ones((N, 1), dtype=x.dtype), batch, num_segments=G)
    pooled = sums / jnp.maximum(cnt, 1.0)
    # head: Linear -> SiLU -> (Dropout is identity in eval) -> Linear
    h = jax.nn.silu(pooled @ W1 + b1)
    out = (h @ W2 + b2).squeeze(-1)
    return out

if __name__ == "__main__":
    import jax
    _d = setup_inputs()
    print(jax.jit(kernel)(*tuple(_d.values())))

</pallas_src>

<mosaic_0001>
#map = affine_map<(d0, d1) -> (0, 0)>
#map1 = affine_map<(d0, d1) -> (0)>
#map2 = affine_map<(d0, d1) -> (0, 0, 0)>
module attributes {stable_mosaic.version = 14 : i64} {
  func.func @_edge_kernel_body(%arg0: i32, %arg1: i32, %arg2: memref<100000x64xf32, #tpu.memory_space<hbm>>, %arg3: memref<100000x64xf32, #tpu.memory_space<hbm>>, %arg4: memref<1600000x64xf32, #tpu.memory_space<hbm>>, %arg5: memref<800000xi32, #tpu.memory_space<hbm>>, %arg6: memref<800000xi32, #tpu.memory_space<hbm>>, %arg7: memref<50000x32xf32, #tpu.memory_space<hbm>>, %arg8: memref<2x50000x32xf32, #tpu.memory_space<hbm>>, %arg9: memref<80xi32, #tpu.memory_space<vmem>>, %arg10: memref<80xi32, #tpu.memory_space<vmem>>, %arg11: memref<80xi32, #tpu.memory_space<vmem>>, %arg12: memref<80xi32, #tpu.memory_space<vmem>>, %arg13: memref<80x64xf32, #tpu.memory_space<vmem>>, %arg14: memref<80x64xf32, #tpu.memory_space<vmem>>, %arg15: memref<80x64xf32, #tpu.memory_space<vmem>>, %arg16: memref<80x32xf32, #tpu.memory_space<vmem>>, %arg17: memref<50000x32xf32, #tpu.memory_space<vmem_shared>>, %arg18: memref<!tpu.dma_semaphore, #tpu.memory_space<semaphore_mem>>) attributes {dimension_semantics = [#tpu.dimension_semantics<core_parallel>, #tpu.dimension_semantics<subcore_parallel>], iteration_bounds = array<i64: 2, 16>, scalar_prefetch = 0 : i64, scratch_operands = 10 : i64, tpu.core_type = #tpu.core_type<sc_vector_subcore>, window_params = [{transform_indices = #map}, {transform_indices = #map}, {transform_indices = #map}, {transform_indices = #map1}, {transform_indices = #map1}, {transform_indices = #map}, {transform_indices = #map2}]} {
    %mul3A = arith.constant 50000 : i32
    %mul3A_0 = arith.muli %arg0, %mul3A : i32
    %mul3A_1 = arith.constant 3125 : i32
    %mul3A_2 = arith.muli %arg1, %mul3A_1 : i32
    %mul3A_3 = arith.constant 3125 : i32
    %mul3A_4 = arith.muli %arg1, %mul3A_3 : i32
    "tpu.region"() ({
      %run_scoped3A = tpu.sem_alloc : memref<!tpu.dma_semaphore, #tpu.memory_space<semaphore_mem>>
      %dma_start3A = arith.constant 0 : i32
      %dma_start3A_15 = tpu.memref_slice %arg17[%mul3A_4, %dma_start3A] : memref<50000x32xf32, #tpu.memory_space<vmem_shared>> -> memref<3125x32xf32, #tpu.memory_space<vmem_shared>>
      %dma_start3A_16 = arith.constant 0 : i32
      %dma_start3A_17 = tpu.memref_slice %arg7[%mul3A_2, %dma_start3A_16] : memref<50000x32xf32, #tpu.memory_space<hbm>> -> memref<3125x32xf32, #tpu.memory_space<hbm>>
      tpu.enqueue_dma source(%dma_start3A_17 : memref<3125x32xf32, #tpu.memory_space<hbm>>) target(%dma_start3A_15 : memref<3125x32xf32, #tpu.memory_space<vmem_shared>>) target_semaphore(%run_scoped3A : memref<!tpu.dma_semaphore, #tpu.memory_space<semaphore_mem>>)
      %dma_wait3A = arith.constant 0 : i32
      %dma_wait3A_18 = tpu.memref_slice %arg17[%mul3A_4, %dma_wait3A] : memref<50000x32xf32, #tpu.memory_space<vmem_shared>> -> memref<3125x32xf32, #tpu.memory_space<vmem_shared>>
      %dma_wait3A_19 = arith.constant 0 : i32
      %dma_wait3A_20 = tpu.memref_slice %arg7[%mul3A_2, %dma_wait3A_19] : memref<50000x32xf32, #tpu.memory_space<hbm>> -> memref<3125x32xf32, #tpu.memory_space<hbm>>
      tpu.wait_dma2 semaphore(%run_scoped3A : memref<!tpu.dma_semaphore, #tpu.memory_space<semaphore_mem>>) src(%dma_wait3A_20 : memref<3125x32xf32, #tpu.memory_space<hbm>>) dst(%dma_wait3A_18 : memref<3125x32xf32, #tpu.memory_space<vmem_shared>>)
      tpu.yield
    }) : () -> ()
    %barrier3A = arith.constant 0 : index
    tpu.barrier barrier_id(%barrier3A)
    %scan3A = arith.constant 0 : i32
    %scan3A_5 = arith.constant 0 : i32
    %scan3A_6 = arith.constant 625 : i32
    %scan3A_7 = arith.addi %scan3A_5, %scan3A_6 : i32
    %scan3A_8 = arith.constant 1 : i32
    scf.for %scan3A_15 = %scan3A_5 to %scan3A_7 step %scan3A_8  : i32 {
      %mul3A_16 = arith.constant 50000 : i32
      %mul3A_17 = arith.muli %arg1, %mul3A_16 : i32
      %mul3A_18 = arith.constant 80 : i32
      %mul3A_19 = arith.muli %scan3A_15, %mul3A_18 : i32
      %add3A = arith.addi %mul3A_17, %mul3A_19 : i32
      "tpu.region"() ({
        %run_scoped3A = tpu.sem_alloc : memref<!tpu.dma_semaphore, #tpu.memory_space<semaphore_mem>>
        %dma_start3A_127 = tpu.memref_slice %arg5[%add3A] : memref<800000xi32, #tpu.memory_space<hbm>> -> memref<80xi32, #tpu.memory_space<hbm>>
        %dma_start3A_128 = tpu.memref_slice %arg5[%add3A] : memref<800000xi32, #tpu.memory_space<hbm>> -> memref<80xi32, #tpu.memory_space<hbm>>
        tpu.enqueue_dma source(%dma_start3A_128 : memref<80xi32, #tpu.memory_space<hbm>>) target(%arg9 : memref<80xi32, #tpu.memory_space<vmem>>) target_semaphore(%run_scoped3A : memref<!tpu.dma_semaphore, #tpu.memory_space<semaphore_mem>>)
        %dma_wait3A_129 = tpu.memref_slice %arg5[%add3A] : memref<800000xi32, #tpu.memory_space<hbm>> -> memref<80xi32, #tpu.memory_space<hbm>>
        %dma_wait3A_130 = tpu.memref_slice %arg5[%add3A] : memref<800000xi32, #tpu.memory_space<hbm>> -> memref<80xi32, #tpu.memory_space<hbm>>
        tpu.wait_dma2 semaphore(%run_scoped3A : memref<!tpu.dma_semaphore, #tpu.memory_space<semaphore_mem>>) src(%dma_wait3A_130 : memref<80xi32, #tpu.memory_space<hbm>>) dst(%arg9 : memref<80xi32, #tpu.memory_space<vmem>>)
        tpu.yield
      }) : () -> ()
      "tpu.region"() ({
        %run_scoped3A = tpu.sem_alloc : memref<!tpu.dma_semaphore, #tpu.memory_space<semaphore_mem>>
        %dma_start3A_127 = tpu.memref_slice %arg6[%add3A] : memref<800000xi32, #tpu.memory_space<hbm>> -> memref<80xi32, #tpu.memory_space<hbm>>
        %dma_start3A_128 = tpu.memref_slice %arg6[%add3A] : memref<800000xi32, #tpu.memory_space<hbm>> -> memref<80xi32, #tpu.memory_space<hbm>>
        tpu.enqueue_dma source(%dma_start3A_128 : memref<80xi32, #tpu.memory_space<hbm>>) target(%arg10 : memref<80xi32, #tpu.memory_space<vmem>>) target_semaphore(%run_scoped3A : memref<!tpu.dma_semaphore, #tpu.memory_space<semaphore_mem>>)
        %dma_wait3A_129 = tpu.memref_slice %arg6[%add3A] : memref<800000xi32, #tpu.memory_space<hbm>> -> memref<80xi32, #tpu.memory_space<hbm>>
        %dma_wait3A_130 = tpu.memref_slice %arg6[%add3A] : memref<800000xi32, #tpu.memory_space<hbm>> -> memref<80xi32, #tpu.memory_space<hbm>>
        tpu.wait_dma2 semaphore(%run_scoped3A : memref<!tpu.dma_semaphore, #tpu.memory_space<semaphore_mem>>) src(%dma_wait3A_130 : memref<80xi32, #tpu.memory_space<hbm>>) dst(%arg10 : memref<80xi32, #tpu.memory_space<vmem>>)
        tpu.yield
      }) : () -> ()
      %get3A = arith.constant 0 : index
      %get3A_20 = tpu.vector_load %arg9[%get3A] {strides = array<i32>} : memref<80xi32, #tpu.memory_space<vmem>>, vector<16xi32>,
      %get3A_21 = vector.shape_cast %get3A_20 : vector<16xi32> to vector<16xi32>
      %add3A_22 = vector.broadcast %mul3A_0 : i32 to vector<16xi32>
      %add3A_23 = arith.addi %get3A_21, %add3A_22 : vector<16xi32>
      %swap3A = arith.constant 0 : index
      %swap3A_24 = tpu.vector_load %arg11[%swap3A] {strides = array<i32>} : memref<80xi32, #tpu.memory_space<vmem>>, vector<16xi32>,
      %swap3A_25 = vector.shape_cast %swap3A_24 : vector<16xi32> to vector<16xi32>
      %swap3A_26 = vector.shape_cast %add3A_23 : vector<16xi32> to vector<16xi32>
      tpu.vector_store %arg11[%swap3A], %swap3A_26 {strides = array<i32>} : memref<80xi32, #tpu.memory_space<vmem>>, vector<16xi32>,
      %get3A_27 = arith.constant 0 : index
      %get3A_28 = tpu.vector_load %arg10[%get3A_27] {strides = array<i32>} : memref<80xi32, #tpu.memory_space<vmem>>, vector<16xi32>,
      %get3A_29 = vector.shape_cast %get3A_28 : vector<16xi32> to vector<16xi32>
      %add3A_30 = vector.broadcast %mul3A_0 : i32 to vector<16xi32>
      %add3A_31 = arith.addi %get3A_29, %add3A_30 : vector<16xi32>
      %swap3A_32 = arith.constant 0 : index
      %swap3A_33 = tpu.vector_load %arg12[%swap3A_32] {strides = array<i32>} : memref<80xi32, #tpu.memory_space<vmem>>, vector<16xi32>,
      %swap3A_34 = vector.shape_cast %swap3A_33 : vector<16xi32> to vector<16xi32>
      %swap3A_35 = vector.shape_cast %add3A_31 : vector<16xi32> to vector<16xi32>
      tpu.vector_store %arg12[%swap3A_32], %swap3A_35 {strides = array<i32>} : memref<80xi32, #tpu.memory_space<vmem>>, vector<16xi32>,
      %get3A_36 = arith.constant 16 : index
      %get3A_37 = tpu.vector_load %arg9[%get3A_36] {strides = array<i32>} : memref<80xi32, #tpu.memory_space<vmem>>, vector<16xi32>,
      %get3A_38 = vector.shape_cast %get3A_37 : vector<16xi32> to vector<16xi32>
      %add3A_39 = vector.broadcast %mul3A_0 : i32 to vector<16xi32>
      %add3A_40 = arith.addi %get3A_38, %add3A_39 : vector<16xi32>
      %swap3A_41 = arith.constant 16 : index
      %swap3A_42 = tpu.vector_load %arg11[%swap3A_41] {strides = array<i32>} : memref<80xi32, #tpu.memory_space<vmem>>, vector<16xi32>,
      %swap3A_43 = vector.shape_cast %swap3A_42 : vector<16xi32> to vector<16xi32>
      %swap3A_44 = vector.shape_cast %add3A_40 : vector<16xi32> to vector<16xi32>
      tpu.vector_store %arg11[%swap3A_41], %swap3A_44 {strides = array<i32>} : memref<80xi32, #tpu.memory_space<vmem>>, vector<16xi32>,
      %get3A_45 = arith.constant 16 : index
      %get3A_46 = tpu.vector_load %arg10[%get3A_45] {strides = array<i32>} : memref<80xi32, #tpu.memory_space<vmem>>, vector<16xi32>,
      %get3A_47 = vector.shape_cast %get3A_46 : vector<16xi32> to vector<16xi32>
      %add3A_48 = vector.broadcast %mul3A_0 : i32 to vector<16xi32>
      %add3A_49 = arith.addi %get3A_47, %add3A_48 : vector<16xi32>
      %swap3A_50 = arith.constant 16 : index
      %swap3A_51 = tpu.vector_load %arg12[%swap3A_50] {strides = array<i32>} : memref<80xi32, #tpu.memory_space<vmem>>, vector<16xi32>,
      %swap3A_52 = vector.shape_cast %swap3A_51 : vector<16xi32> to vector<16xi32>
      %swap3A_53 = vector.shape_cast %add3A_49 : vector<16xi32> to vector<16xi32>
      tpu.vector_store %arg12[%swap3A_50], %swap3A_53 {strides = array<i32>} : memref<80xi32, #tpu.memory_space<vmem>>, vector<16xi32>,
      %get3A_54 = arith.constant 32 : index
      %get3A_55 = tpu.vector_load %arg9[%get3A_54] {strides = array<i32>} : memref<80xi32, #tpu.memory_space<vmem>>, vector<16xi32>,
      %get3A_56 = vector.shape_cast %get3A_55 : vector<16xi32> to vector<16xi32>
      %add3A_57 = vector.broadcast %mul3A_0 : i32 to vector<16xi32>
      %add3A_58 = arith.addi %get3A_56, %add3A_57 : vector<16xi32>
      %swap3A_59 = arith.constant 32 : index
      %swap3A_60 = tpu.vector_load %arg11[%swap3A_59] {strides = array<i32>} : memref<80xi32, #tpu.memory_space<vmem>>, vector<16xi32>,
      %swap3A_61 = vector.shape_cast %swap3A_60 : vector<16xi32> to vector<16xi32>
      %swap3A_62 = vector.shape_cast %add3A_58 : vector<16xi32> to vector<16xi32>
      tpu.vector_store %arg11[%swap3A_59], %swap3A_62 {strides = array<i32>} : memref<80xi32, #tpu.memory_space<vmem>>, vector<16xi32>,
      %get3A_63 = arith.constant 32 : index
      %get3A_64 = tpu.vector_load %arg10[%get3A_63] {strides = array<i32>} : memref<80xi32, #tpu.memory_space<vmem>>, vector<16xi32>,
      %get3A_65 = vector.shape_cast %get3A_64 : vector<16xi32> to vector<16xi32>
      %add3A_66 = vector.broadcast %mul3A_0 : i32 to vector<16xi32>
      %add3A_67 = arith.addi %get3A_65, %add3A_66 : vector<16xi32>
      %swap3A_68 = arith.constant 32 : index
      %swap3A_69 = tpu.vector_load %arg12[%swap3A_68] {strides = array<i32>} : memref<80xi32, #tpu.memory_space<vmem>>, vector<16xi32>,
      %swap3A_70 = vector.shape_cast %swap3A_69 : vector<16xi32> to vector<16xi32>
      %swap3A_71 = vector.shape_cast %add3A_67 : vector<16xi32> to vector<16xi32>
      tpu.vector_store %arg12[%swap3A_68], %swap3A_71 {strides = array<i32>} : memref<80xi32, #tpu.memory_space<vmem>>, vector<16xi32>,
      %get3A_72 = arith.constant 48 : index
      %get3A_73 = tpu.vector_load %arg9[%get3A_72] {strides = array<i32>} : memref<80xi32, #tpu.memory_space<vmem>>, vector<16xi32>,
      %get3A_74 = vector.shape_cast %get3A_73 : vector<16xi32> to vector<16xi32>
      %add3A_75 = vector.broadcast %mul3A_0 : i32 to vector<16xi32>
      %add3A_76 = arith.addi %get3A_74, %add3A_75 : vector<16xi32>
      %swap3A_77 = arith.constant 48 : index
      %swap3A_78 = tpu.vector_load %arg11[%swap3A_77] {strides = array<i32>} : memref<80xi32, #tpu.memory_space<vmem>>, vector<16xi32>,
      %swap3A_79 = vector.shape_cast %swap3A_78 : vector<16xi32> to vector<16xi32>
      %swap3A_80 = vector.shape_cast %add3A_76 : vector<16xi32> to vector<16xi32>
      tpu.vector_store %arg11[%swap3A_77], %swap3A_80 {strides = array<i32>} : memref<80xi32, #tpu.memory_space<vmem>>, vector<16xi32>,
      %get3A_81 = arith.constant 48 : index
      %get3A_82 = tpu.vector_load %arg10[%get3A_81] {strides = array<i32>} : memref<80xi32, #tpu.memory_space<vmem>>, vector<16xi32>,
      %get3A_83 = vector.shape_cast %get3A_82 : vector<16xi32> to vector<16xi32>
      %add3A_84 = vector.broadcast %mul3A_0 : i32 to vector<16xi32>
      %add3A_85 = arith.addi %get3A_83, %add3A_84 : vector<16xi32>
      %swap3A_86 = arith.constant 48 : index
      %swap3A_87 = tpu.vector_load %arg12[%swap3A_86] {strides = array<i32>} : memref<80xi32, #tpu.memory_space<vmem>>, vector<16xi32>,
      %swap3A_88 = vector.shape_cast %swap3A_87 : vector<16xi32> to vector<16xi32>
      %swap3A_89 = vector.shape_cast %add3A_85 : vector<16xi32> to vector<16xi32>
      tpu.vector_store %arg12[%swap3A_86], %swap3A_89 {strides = array<i32>} : memref<80xi32, #tpu.memory_space<vmem>>, vector<16xi32>,
      %get3A_90 = arith.constant 64 : index
      %get3A_91 = tpu.vector_load %arg9[%get3A_90] {strides = array<i32>} : memref<80xi32, #tpu.memory_space<vmem>>, vector<16xi32>,
      %get3A_92 = vector.shape_cast %get3A_91 : vector<16xi32> to vector<16xi32>
      %add3A_93 = vector.broadcast %mul3A_0 : i32 to vector<16xi32>
      %add3A_94 = arith.addi %get3A_92, %add3A_93 : vector<16xi32>
      %swap3A_95 = arith.constant 64 : index
      %swap3A_96 = tpu.vector_load %arg11[%swap3A_95] {strides = array<i32>} : memref<80xi32, #tpu.memory_space<vmem>>, vector<16xi32>,
      %swap3A_97 = vector.shape_cast %swap3A_96 : vector<16xi32> to vector<16xi32>
      %swap3A_98 = vector.shape_cast %add3A_94 : vector<16xi32> to vector<16xi32>
      tpu.vector_store %arg11[%swap3A_95], %swap3A_98 {strides = array<i32>} : memref<80xi32, #tpu.memory_space<vmem>>, vector<16xi32>,
      %get3A_99 = arith.constant 64 : index
      %get3A_100 = tpu.vector_load %arg10[%get3A_99] {strides = array<i32>} : memref<80xi32, #tpu.memory_space<vmem>>, vector<16xi32>,
      %get3A_101 = vector.shape_cast %get3A_100 : vector<16xi32> to vector<16xi32>
      %add3A_102 = vector.broadcast %mul3A_0 : i32 to vector<16xi32>
      %add3A_103 = arith.addi %get3A_101, %add3A_102 : vector<16xi32>
      %swap3A_104 = arith.constant 64 : index
      %swap3A_105 = tpu.vector_load %arg12[%swap3A_104] {strides = array<i32>} : memref<80xi32, #tpu.memory_space<vmem>>, vector<16xi32>,
      %swap3A_106 = vector.shape_cast %swap3A_105 : vector<16xi32> to vector<16xi32>
      %swap3A_107 = vector.shape_cast %add3A_103 : vector<16xi32> to vector<16xi32>
      tpu.vector_store %arg12[%swap3A_104], %swap3A_107 {strides = array<i32>} : memref<80xi32, #tpu.memory_space<vmem>>, vector<16xi32>,
      %dma_start3A = arith.constant 0 : i32
      %dma_start3A_108 = arith.constant 0 : i32
      %dma_start3A_109 = tpu.memref_slice %arg2[%dma_start3A, %dma_start3A_108] : memref<100000x64xf32, #tpu.memory_space<hbm>> -> memref<100000x64xf32, #tpu.memory_space<hbm>>
      tpu.enqueue_indirect_dma source(%dma_start3A_109 : memref<100000x64xf32, #tpu.memory_space<hbm>>) target(%arg13 : memref<80x64xf32, #tpu.memory_space<vmem>>) offsets(%arg11 : memref<80xi32, #tpu.memory_space<vmem>>) semaphore(%arg18 : memref<!tpu.dma_semaphore, #tpu.memory_space<semaphore_mem>>)
      %dma_start3A_110 = arith.constant 0 : i32
      %dma_start3A_111 = arith.constant 0 : i32
      %dma_start3A_112 = tpu.memref_slice %arg3[%dma_start3A_110, %dma_start3A_111] : memref<100000x64xf32, #tpu.memory_space<hbm>> -> memref<100000x64xf32, #tpu.memory_space<hbm>>
      tpu.enqueue_indirect_dma source(%dma_start3A_112 : memref<100000x64xf32, #tpu.memory_space<hbm>>) target(%arg14 : memref<80x64xf32, #tpu.memory_space<vmem>>) offsets(%arg12 : memref<80xi32, #tpu.memory_space<vmem>>) semaphore(%arg18 : memref<!tpu.dma_semaphore, #tpu.memory_space<semaphore_mem>>)
      %mul3A_113 = arith.constant 800000 : i32
      %mul3A_114 = arith.muli %arg0, %mul3A_113 : i32
      %add3A_115 = arith.addi %mul3A_114, %add3A : i32
      "tpu.region"() ({
        %run_scoped3A = tpu.sem_alloc : memref<!tpu.dma_semaphore, #tpu.memory_space<semaphore_mem>>
        %dma_start3A_127 = arith.constant 0 : i32
        %dma_start3A_128 = tpu.memref_slice %arg4[%add3A_115, %dma_start3A_127] : memref<1600000x64xf32, #tpu.memory_space<hbm>> -> memref<80x64xf32, #tpu.memory_space<hbm>>
        %dma_start3A_129 = arith.constant 0 : i32
        %dma_start3A_130 = tpu.memref_slice %arg4[%add3A_115, %dma_start3A_129] : memref<1600000x64xf32, #tpu.memory_space<hbm>> -> memref<80x64xf32, #tpu.memory_space<hbm>>
        tpu.enqueue_dma source(%dma_start3A_130 : memref<80x64xf32, #tpu.memory_space<hbm>>) target(%arg15 : memref<80x64xf32, #tpu.memory_space<vmem>>) target_semaphore(%run_scoped3A : memref<!tpu.dma_semaphore, #tpu.memory_space<semaphore_mem>>)
        %dma_wait3A_131 = arith.constant 0 : i32
        %dma_wait3A_132 = tpu.memref_slice %arg4[%add3A_115, %dma_wait3A_131] : memref<1600000x64xf32, #tpu.memory_space<hbm>> -> memref<80x64xf32, #tpu.memory_space<hbm>>
        %dma_wait3A_133 = arith.constant 0 : i32
        %dma_wait3A_134 = tpu.memref_slice %arg4[%add3A_115, %dma_wait3A_133] : memref<1600000x64xf32, #tpu.memory_space<hbm>> -> memref<80x64xf32, #tpu.memory_space<hbm>>
        tpu.wait_dma2 semaphore(%run_scoped3A : memref<!tpu.dma_semaphore, #tpu.memory_space<semaphore_mem>>) src(%dma_wait3A_134 : memref<80x64xf32, #tpu.memory_space<hbm>>) dst(%arg15 : memref<80x64xf32, #tpu.memory_space<vmem>>)
        tpu.yield
      }) : () -> ()
      %dma_wait3A = arith.constant 0 : i32
      %dma_wait3A_116 = arith.constant 0 : i32
      %dma_wait3A_117 = tpu.memref_slice %arg2[%dma_wait3A, %dma_wait3A_116] : memref<100000x64xf32, #tpu.memory_space<hbm>> -> memref<100000x64xf32, #tpu.memory_space<hbm>>
      tpu.wait_indirect_dma semaphore(%arg18 : memref<!tpu.dma_semaphore, #tpu.memory_space<semaphore_mem>>) src(%dma_wait3A_117 : memref<100000x64xf32, #tpu.memory_space<hbm>>) dst(%arg13 : memref<80x64xf32, #tpu.memory_space<vmem>>)
      %dma_wait3A_118 = arith.constant 0 : i32
      %dma_wait3A_119 = arith.constant 0 : i32
      %dma_wait3A_120 = tpu.memref_slice %arg3[%dma_wait3A_118, %dma_wait3A_119] : memref<100000x64xf32, #tpu.memory_space<hbm>> -> memref<100000x64xf32, #tpu.memory_space<hbm>>
      tpu.wait_indirect_dma semaphore(%arg18 : memref<!tpu.dma_semaphore, #tpu.memory_space<semaphore_mem>>) src(%dma_wait3A_120 : memref<100000x64xf32, #tpu.memory_space<hbm>>) dst(%arg14 : memref<80x64xf32, #tpu.memory_space<vmem>>)
      %scan3A_121 = arith.constant 0 : i32
      %scan3A_122 = arith.constant 0 : i32
      %scan3A_123 = arith.constant 80 : i32
      %scan3A_124 = arith.addi %scan3A_122, %scan3A_123 : i32
      %scan3A_125 = arith.constant 1 : i32
      scf.for %scan3A_127 = %scan3A_122 to %scan3A_124 step %scan3A_125  : i32 {
        %get3A_128 = arith.index_cast %scan3A_127 : i32 to index
        %get3A_129 = arith.constant 0 : index
        %get3A_130 = tpu.vector_load %arg13[%get3A_128, %get3A_129] {strides = array<i32>} : memref<80x64xf32, #tpu.memory_space<vmem>>, vector<1x16xf32>,
        %get3A_131 = vector.shape_cast %get3A_130 : vector<1x16xf32> to vector<16xf32>
        %get3A_132 = arith.index_cast %scan3A_127 : i32 to index
        %get3A_133 = arith.constant 0 : index
        %get3A_134 = tpu.vector_load %arg14[%get3A_132, %get3A_133] {strides = array<i32>} : memref<80x64xf32, #tpu.memory_space<vmem>>, vector<1x16xf32>,
        %get3A_135 = vector.shape_cast %get3A_134 : vector<1x16xf32> to vector<16xf32>
        %add3A_136 = arith.addf %get3A_131, %get3A_135 : vector<16xf32>
        %get3A_137 = arith.index_cast %scan3A_127 : i32 to index
        %get3A_138 = arith.constant 0 : index
        %get3A_139 = tpu.vector_load %arg15[%get3A_137, %get3A_138] {strides = array<i32>} : memref<80x64xf32, #tpu.memory_space<vmem>>, vector<1x16xf32>,
        %get3A_140 = vector.shape_cast %get3A_139 : vector<1x16xf32> to vector<16xf32>
        %add3A_141 = arith.addf %add3A_136, %get3A_140 : vector<16xf32>
        %get3A_142 = arith.index_cast %scan3A_127 : i32 to index
        %get3A_143 = arith.constant 16 : index
        %get3A_144 = tpu.vector_load %arg13[%get3A_142, %get3A_143] {strides = array<i32>} : memref<80x64xf32, #tpu.memory_space<vmem>>, vector<1x16xf32>,
        %get3A_145 = vector.shape_cast %get3A_144 : vector<1x16xf32> to vector<16xf32>
        %get3A_146 = arith.index_cast %scan3A_127 : i32 to index
        %get3A_147 = arith.constant 16 : index
        %get3A_148 = tpu.vector_load %arg14[%get3A_146, %get3A_147] {strides = array<i32>} : memref<80x64xf32, #tpu.memory_space<vmem>>, vector<1x16xf32>,
        %get3A_149 = vector.shape_cast %get3A_148 : vector<1x16xf32> to vector<16xf32>
        %add3A_150 = arith.addf %get3A_145, %get3A_149 : vector<16xf32>
        %get3A_151 = arith.index_cast %scan3A_127 : i32 to index
        %get3A_152 = arith.constant 16 : index
        %get3A_153 = tpu.vector_load %arg15[%get3A_151, %get3A_152] {strides = array<i32>} : memref<80x64xf32, #tpu.memory_space<vmem>>, vector<1x16xf32>,
        %get3A_154 = vector.shape_cast %get3A_153 : vector<1x16xf32> to vector<16xf32>
        %add3A_155 = arith.addf %add3A_150, %get3A_154 : vector<16xf32>
        %get3A_156 = arith.index_cast %scan3A_127 : i32 to index
        %get3A_157 = arith.constant 32 : index
        %get3A_158 = tpu.vector_load %arg13[%get3A_156, %get3A_157] {strides = array<i32>} : memref<80x64xf32, #tpu.memory_space<vmem>>, vector<1x16xf32>,
        %get3A_159 = vector.shape_cast %get3A_158 : vector<1x16xf32> to vector<16xf32>
        %get3A_160 = arith.index_cast %scan3A_127 : i32 to index
        %get3A_161 = arith.constant 32 : index
        %get3A_162 = tpu.vector_load %arg14[%get3A_160, %get3A_161] {strides = array<i32>} : memref<80x64xf32, #tpu.memory_space<vmem>>, vector<1x16xf32>,
        %get3A_163 = vector.shape_cast %get3A_162 : vector<1x16xf32> to vector<16xf32>
        %add3A_164 = arith.addf %get3A_159, %get3A_163 : vector<16xf32>
        %get3A_165 = arith.index_cast %scan3A_127 : i32 to index
        %get3A_166 = arith.constant 32 : index
        %get3A_167 = tpu.vector_load %arg15[%get3A_165, %get3A_166] {strides = array<i32>} : memref<80x64xf32, #tpu.memory_space<vmem>>, vector<1x16xf32>,
        %get3A_168 = vector.shape_cast %get3A_167 : vector<1x16xf32> to vector<16xf32>
        %add3A_169 = arith.addf %add3A_164, %get3A_168 : vector<16xf32>
        %get3A_170 = arith.index_cast %scan3A_127 : i32 to index
        %get3A_171 = arith.constant 48 : index
        %get3A_172 = tpu.vector_load %arg13[%get3A_170, %get3A_171] {strides = array<i32>} : memref<80x64xf32, #tpu.memory_space<vmem>>, vector<1x16xf32>,
        %get3A_173 = vector.shape_cast %get3A_172 : vector<1x16xf32> to vector<16xf32>
        %get3A_174 = arith.index_cast %scan3A_127 : i32 to index
        %get3A_175 = arith.constant 48 : index
        %get3A_176 = tpu.vector_load %arg14[%get3A_174, %get3A_175] {strides = array<i32>} : memref<80x64xf32, #tpu.memory_space<vmem>>, vector<1x16xf32>,
        %get3A_177 = vector.shape_cast %get3A_176 : vector<1x16xf32> to vector<16xf32>
        %add3A_178 = arith.addf %get3A_173, %get3A_177 : vector<16xf32>
        %get3A_179 = arith.index_cast %scan3A_127 : i32 to index
        %get3A_180 = arith.constant 48 : index
        %get3A_181 = tpu.vector_load %arg15[%get3A_179, %get3A_180] {strides = array<i32>} : memref<80x64xf32, #tpu.memory_space<vmem>>, vector<1x16xf32>,
        %get3A_182 = vector.shape_cast %get3A_181 : vector<1x16xf32> to vector<16xf32>
        %add3A_183 = arith.addf %add3A_178, %get3A_182 : vector<16xf32>
        %neg3A = arith.constant 0.000000e+00 : f32
        %neg3A_184 = vector.broadcast %neg3A : f32 to vector<16xf32>
        %neg3A_185 = arith.subf %neg3A_184, %add3A_141 : vector<16xf32>
        %exp3A = math.exp %neg3A_185 : vector<16xf32>
        %add3A_186 = arith.constant 1.000000e+00 : f32
        %add3A_187 = vector.broadcast %add3A_186 : f32 to vector<16xf32>
        %add3A_188 = arith.addf %add3A_187, %exp3A : vector<16xf32>
        %div3A = arith.constant 1.000000e+00 : f32
        %div3A_189 = vector.broadcast %div3A : f32 to vector<16xf32>
        %div3A_190 = arith.divf %div3A_189, %add3A_188 : vector<16xf32>
        %abs3A = math.absf %add3A_169 : vector<16xf32>
        %neg3A_191 = arith.constant 0.000000e+00 : f32
        %neg3A_192 = vector.broadcast %neg3A_191 : f32 to vector<16xf32>
        %neg3A_193 = arith.subf %neg3A_192, %abs3A : vector<16xf32>
        %exp3A_194 = math.exp %neg3A_193 : vector<16xf32>
        %mul3A_195 = arith.constant 2.000000e-01 : f32
        %mul3A_196 = vector.broadcast %mul3A_195 : f32 to vector<16xf32>
        %mul3A_197 = arith.mulf %exp3A_194, %mul3A_196 : vector<16xf32>
        %add3A_198 = arith.constant -2.500000e-01 : f32
        %add3A_199 = vector.broadcast %add3A_198 : f32 to vector<16xf32>
        %add3A_200 = arith.addf %add3A_199, %mul3A_197 : vector<16xf32>
        %mul3A_201 = arith.mulf %exp3A_194, %add3A_200 : vector<16xf32>
        %add3A_202 = arith.constant 0.333333313 : f32
        %add3A_203 = vector.broadcast %add3A_202 : f32 to vector<16xf32>
        %add3A_204 = arith.addf %add3A_203, %mul3A_201 : vector<16xf32>
        %mul3A_205 = arith.mulf %exp3A_194, %add3A_204 : vector<16xf32>
        %add3A_206 = arith.constant -5.000000e-01 : f32
        %add3A_207 = vector.broadcast %add3A_206 : f32 to vector<16xf32>
        %add3A_208 = arith.addf %add3A_207, %mul3A_205 : vector<16xf32>
        %mul3A_209 = arith.mulf %exp3A_194, %add3A_208 : vector<16xf32>
        %add3A_210 = arith.constant 1.000000e+00 : f32
        %add3A_211 = vector.broadcast %add3A_210 : f32 to vector<16xf32>
        %add3A_212 = arith.addf %add3A_211, %mul3A_209 : vector<16xf32>
        %mul3A_213 = arith.mulf %exp3A_194, %add3A_212 : vector<16xf32>
        %sub3A = arith.constant 1.000000e+00 : f32
        %sub3A_214 = vector.broadcast %sub3A : f32 to vector<16xf32>
        %sub3A_215 = arith.subf %mul3A_213, %sub3A_214 : vector<16xf32>
        %add3A_216 = arith.constant 1.000000e+00 : f32
        %add3A_217 = vector.broadcast %add3A_216 : f32 to vector<16xf32>
        %add3A_218 = arith.addf %add3A_217, %exp3A_194 : vector<16xf32>
        %neg3A_219 = arith.constant 0.000000e+00 : f32
        %neg3A_220 = vector.broadcast %neg3A_219 : f32 to vector<16xf32>
        %neg3A_221 = arith.subf %neg3A_220, %mul3A_213 : vector<16xf32>
        %exp3A_222 = math.exp %neg3A_221 : vector<16xf32>
        %mul3A_223 = arith.mulf %add3A_218, %exp3A_222 : vector<16xf32>
        %add3A_224 = arith.addf %sub3A_215, %mul3A_223 : vector<16xf32>
        %max3A = arith.constant 0.000000e+00 : f32
        %max3A_225 = vector.broadcast %max3A : f32 to vector<16xf32>
        %max3A_226 = arith.maximumf %add3A_169, %max3A_225 : vector<16xf32>
        %add3A_227 = arith.addf %add3A_224, %max3A_226 : vector<16xf32>
        %mul3A_228 = arith.mulf %div3A_190, %add3A_227 : vector<16xf32>
        %swap3A_229 = arith.index_cast %scan3A_127 : i32 to index
        %swap3A_230 = arith.constant 0 : index
        %swap3A_231 = tpu.vector_load %arg16[%swap3A_229, %swap3A_230] {strides = array<i32>} : memref<80x32xf32, #tpu.memory_space<vmem>>, vector<1x16xf32>,
        %swap3A_232 = vector.shape_cast %swap3A_231 : vector<1x16xf32> to vector<16xf32>
        %swap3A_233 = vector.shape_cast %mul3A_228 : vector<16xf32> to vector<1x16xf32>
        tpu.vector_store %arg16[%swap3A_229, %swap3A_230], %swap3A_233 {strides = array<i32>} : memref<80x32xf32, #tpu.memory_space<vmem>>, vector<1x16xf32>,
        %neg3A_234 = arith.constant 0.000000e+00 : f32
        %neg3A_235 = vector.broadcast %neg3A_234 : f32 to vector<16xf32>
        %neg3A_236 = arith.subf %neg3A_235, %add3A_155 : vector<16xf32>
        %exp3A_237 = math.exp %neg3A_236 : vector<16xf32>
        %add3A_238 = arith.constant 1.000000e+00 : f32
        %add3A_239 = vector.broadcast %add3A_238 : f32 to vector<16xf32>
        %add3A_240 = arith.addf %add3A_239, %exp3A_237 : vector<16xf32>
        %div3A_241 = arith.constant 1.000000e+00 : f32
        %div3A_242 = vector.broadcast %div3A_241 : f32 to vector<16xf32>
        %div3A_243 = arith.divf %div3A_242, %add3A_240 : vector<16xf32>
        %abs3A_244 = math.absf %add3A_183 : vector<16xf32>
        %neg3A_245 = arith.constant 0.000000e+00 : f32
        %neg3A_246 = vector.broadcast %neg3A_245 : f32 to vector<16xf32>
        %neg3A_247 = arith.subf %neg3A_246, %abs3A_244 : vector<16xf32>
        %exp3A_248 = math.exp %neg3A_247 : vector<16xf32>
        %mul3A_249 = arith.constant 2.000000e-01 : f32
        %mul3A_250 = vector.broadcast %mul3A_249 : f32 to vector<16xf32>
        %mul3A_251 = arith.mulf %exp3A_248, %mul3A_250 : vector<16xf32>
        %add3A_252 = arith.constant -2.500000e-01 : f32
        %add3A_253 = vector.broadcast %add3A_252 : f32 to vector<16xf32>
        %add3A_254 = arith.addf %add3A_253, %mul3A_251 : vector<16xf32>
        %mul3A_255 = arith.mulf %exp3A_248, %add3A_254 : vector<16xf32>
        %add3A_256 = arith.constant 0.333333313 : f32
        %add3A_257 = vector.broadcast %add3A_256 : f32 to vector<16xf32>
        %add3A_258 = arith.addf %add3A_257, %mul3A_255 : vector<16xf32>
        %mul3A_259 = arith.mulf %exp3A_248, %add3A_258 : vector<16xf32>
        %add3A_260 = arith.constant -5.000000e-01 : f32
        %add3A_261 = vector.broadcast %add3A_260 : f32 to vector<16xf32>
        %add3A_262 = arith.addf %add3A_261, %mul3A_259 : vector<16xf32>
        %mul3A_263 = arith.mulf %exp3A_248, %add3A_262 : vector<16xf32>
        %add3A_264 = arith.constant 1.000000e+00 : f32
        %add3A_265 = vector.broadcast %add3A_264 : f32 to vector<16xf32>
        %add3A_266 = arith.addf %add3A_265, %mul3A_263 : vector<16xf32>
        %mul3A_267 = arith.mulf %exp3A_248, %add3A_266 : vector<16xf32>
        %sub3A_268 = arith.constant 1.000000e+00 : f32
        %sub3A_269 = vector.broadcast %sub3A_268 : f32 to vector<16xf32>
        %sub3A_270 = arith.subf %mul3A_267, %sub3A_269 : vector<16xf32>
        %add3A_271 = arith.constant 1.000000e+00 : f32
        %add3A_272 = vector.broadcast %add3A_271 : f32 to vector<16xf32>
        %add3A_273 = arith.addf %add3A_272, %exp3A_248 : vector<16xf32>
        %neg3A_274 = arith.constant 0.000000e+00 : f32
        %neg3A_275 = vector.broadcast %neg3A_274 : f32 to vector<16xf32>
        %neg3A_276 = arith.subf %neg3A_275, %mul3A_267 : vector<16xf32>
        %exp3A_277 = math.exp %neg3A_276 : vector<16xf32>
        %mul3A_278 = arith.mulf %add3A_273, %exp3A_277 : vector<16xf32>
        %add3A_279 = arith.addf %sub3A_270, %mul3A_278 : vector<16xf32>
        %max3A_280 = arith.constant 0.000000e+00 : f32
        %max3A_281 = vector.broadcast %max3A_280 : f32 to vector<16xf32>
        %max3A_282 = arith.maximumf %add3A_183, %max3A_281 : vector<16xf32>
        %add3A_283 = arith.addf %add3A_279, %max3A_282 : vector<16xf32>
        %mul3A_284 = arith.mulf %div3A_243, %add3A_283 : vector<16xf32>
        %swap3A_285 = arith.index_cast %scan3A_127 : i32 to index
        %swap3A_286 = arith.constant 16 : index
        %swap3A_287 = tpu.vector_load %arg16[%swap3A_285, %swap3A_286] {strides = array<i32>} : memref<80x32xf32, #tpu.memory_space<vmem>>, vector<1x16xf32>,
        %swap3A_288 = vector.shape_cast %swap3A_287 : vector<1x16xf32> to vector<16xf32>
        %swap3A_289 = vector.shape_cast %mul3A_284 : vector<16xf32> to vector<1x16xf32>
        tpu.vector_store %arg16[%swap3A_285, %swap3A_286], %swap3A_289 {strides = array<i32>} : memref<80x32xf32, #tpu.memory_space<vmem>>, vector<1x16xf32>,
      }
      %scan3A_126 = arith.constant 80 : i32
      "tpu.region"() ({
        %run_scoped3A = tpu.sem_alloc : memref<!tpu.dma_semaphore, #tpu.memory_space<semaphore_mem>>
        %dma_start3A_127 = arith.constant 0 : i32
        %dma_start3A_128 = arith.constant 0 : i32
        %dma_start3A_129 = tpu.memref_slice %arg17[%dma_start3A_127, %dma_start3A_128] : memref<50000x32xf32, #tpu.memory_space<vmem_shared>> -> memref<50000x32xf32, #tpu.memory_space<vmem_shared>>
        tpu.enqueue_indirect_dma source(%arg16 : memref<80x32xf32, #tpu.memory_space<vmem>>) target(%dma_start3A_129 : memref<50000x32xf32, #tpu.memory_space<vmem_shared>>) offsets(%arg9 : memref<80xi32, #tpu.memory_space<vmem>>) semaphore(%run_scoped3A : memref<!tpu.dma_semaphore, #tpu.memory_space<semaphore_mem>>) {add = true}
        %dma_wait3A_130 = arith.constant 0 : i32
        %dma_wait3A_131 = arith.constant 0 : i32
        %dma_wait3A_132 = tpu.memref_slice %arg17[%dma_wait3A_130, %dma_wait3A_131] : memref<50000x32xf32, #tpu.memory_space<vmem_shared>> -> memref<50000x32xf32, #tpu.memory_space<vmem_shared>>
        tpu.wait_indirect_dma semaphore(%run_scoped3A : memref<!tpu.dma_semaphore, #tpu.memory_space<semaphore_mem>>) src(%arg16 : memref<80x32xf32, #tpu.memory_space<vmem>>) dst(%dma_wait3A_132 : memref<50000x32xf32, #tpu.memory_space<vmem_shared>>)
        tpu.yield
      }) : () -> ()
    }
    %scan3A_9 = arith.constant 625 : i32
    %barrier3A_10 = arith.constant 0 : index
    tpu.barrier barrier_id(%barrier3A_10)
    %mul3A_11 = arith.constant 3125 : i32
    %mul3A_12 = arith.muli %arg1, %mul3A_11 : i32
    %mul3A_13 = arith.constant 3125 : i32
    %mul3A_14 = arith.muli %arg1, %mul3A_13 : i32
    "tpu.region"() ({
      %run_scoped3A = tpu.sem_alloc : memref<!tpu.dma_semaphore, #tpu.memory_space<semaphore_mem>>
      %dma_start3A = arith.constant 0 : i32
      %dma_start3A_15 = arith.constant 0 : i32
      %dma_start3A_16 = tpu.memref_slice %arg8[%arg0, %dma_start3A, %dma_start3A_15] : memref<2x50000x32xf32, #tpu.memory_space<hbm>> -> memref<1x50000x32xf32, #tpu.memory_space<hbm>>
      %dma_start3A_17 = tpu.memref_squeeze %dma_start3A_16 : memref<1x50000x32xf32, #tpu.memory_space<hbm>> -> memref<50000x32xf32, #tpu.memory_space<hbm>>
      %dma_start3A_18 = arith.constant 0 : i32
      %dma_start3A_19 = tpu.memref_slice %dma_start3A_17[%mul3A_14, %dma_start3A_18] : memref<50000x32xf32, #tpu.memory_space<hbm>> -> memref<3125x32xf32, #tpu.memory_space<hbm>>
      %dma_start3A_20 = arith.constant 0 : i32
      %dma_start3A_21 = tpu.memref_slice %arg17[%mul3A_12, %dma_start3A_20] : memref<50000x32xf32, #tpu.memory_space<vmem_shared>> -> memref<3125x32xf32, #tpu.memory_space<vmem_shared>>
      tpu.enqueue_dma source(%dma_start3A_21 : memref<3125x32xf32, #tpu.memory_space<vmem_shared>>) target(%dma_start3A_19 : memref<3125x32xf32, #tpu.memory_space<hbm>>) target_semaphore(%run_scoped3A : memref<!tpu.dma_semaphore, #tpu.memory_space<semaphore_mem>>)
      %dma_wait3A = arith.constant 0 : i32
      %dma_wait3A_22 = arith.constant 0 : i32
      %dma_wait3A_23 = tpu.memref_slice %arg8[%arg0, %dma_wait3A, %dma_wait3A_22] : memref<2x50000x32xf32, #tpu.memory_space<hbm>> -> memref<1x50000x32xf32, #tpu.memory_space<hbm>>
      %dma_wait3A_24 = tpu.memref_squeeze %dma_wait3A_23 : memref<1x50000x32xf32, #tpu.memory_space<hbm>> -> memref<50000x32xf32, #tpu.memory_space<hbm>>
      %dma_wait3A_25 = arith.constant 0 : i32
      %dma_wait3A_26 = tpu.memref_slice %dma_wait3A_24[%mul3A_14, %dma_wait3A_25] : memref<50000x32xf32, #tpu.memory_space<hbm>> -> memref<3125x32xf32, #tpu.memory_space<hbm>>
      %dma_wait3A_27 = arith.constant 0 : i32
      %dma_wait3A_28 = tpu.memref_slice %arg17[%mul3A_12, %dma_wait3A_27] : memref<50000x32xf32, #tpu.memory_space<vmem_shared>> -> memref<3125x32xf32, #tpu.memory_space<vmem_shared>>
      tpu.wait_dma2 semaphore(%run_scoped3A : memref<!tpu.dma_semaphore, #tpu.memory_space<semaphore_mem>>) src(%dma_wait3A_28 : memref<3125x32xf32, #tpu.memory_space<vmem_shared>>) dst(%dma_wait3A_26 : memref<3125x32xf32, #tpu.memory_space<hbm>>)
      tpu.yield
    }) : () -> ()
    return
  }
}

</mosaic_0001>

<sc_bundles>
// kernel: _edge_pass.3.cloned.1.call-start
scs
__scs_entry_jumppad:
0x0: {  	(pc) =	sbr.rel $0x88, $3  }
0x1: {  	(tag) =	ssettag $0x0;
	lr =	simm.s32 $0x1  }
0x2: {  	[smem:$0x3F9B] =	sst lr;
	_ =	strace $0xD0000000  }
0x3: {  	_ = 	snop  }
0x4: {  	_ = 	snop  }
0x5: {  	_ = 	snop  }
0x6: {  	_ = 	snop  }
0x7: {  	_ = 	snop  }
__scs_overlays_trampoline_lowered:
0x8: {  	[smem:$0x3FAA] =	sst s0  }
0x9: {  	[smem:$0x3FAB] =	sst s1  }
0xa: {  	[smem:$0x3FAC] =	sst s2  }
0xb: {  	[smem:$0x3FAD] =	sst s3  }
0xc: {  	[smem:$0x3FAE] =	sst s4  }
0xd: {  	[smem:$0x3FAF] =	sst s5  }
0xe: {  	[smem:$0x3FB0] =	sst s6  }
0xf: {  	[smem:$0x3FB1] =	sst s7  }
0x10: {  	[smem:$0x3FB2] =	sst s8  }
0x11: {  	[smem:$0x3FB3] =	sst s9;
	s0 =	simm.s32 @!p0 $0x0  }
0x12: {  	s1 =	sld [smem:$0x3F99];
	s0 =	simm.s32 @p0 $0x1  }
0x13: {  	[smem:$0x3FB4] =	sst s0;
	s0 =	simm.s32 @!p1 $0x0  }
0x14: {  	s2 =	sld [smem:$0x3F98];
	s0 =	simm.s32 @p1 $0x1  }
0x15: {  	[smem:$0x3FB5] =	sst s0;
	s0 =	simm.s32 @!p2 $0x0  }
0x16: {  	s3 =	sld [smem:$0x3FDB];
	s0 =	simm.s32 @p2 $0x1  }
0x17: {  	s4 =	simm.s32 $0x1BF5;
	[smem:$0x3FB7] =	sst s0  }
0x18: {  	s0 =	sld [smem:$0x3F9A];
	_ =	swait.ge [sflag:s4], $0x0  }
0x19: {  	s7 =	sld [smem:$0x3F9B]  }
0x1a: {  	s8 =	sadd.s32 $0xFFFFE003, lr  }
0x1b: {  	s9 =	sadd.s32 $0xFFFFFEF7, lr;
	s5 =	simm.s32 $0xFFFFFFFF;
	p2 =	slt.u32 s8, $0xFFFFF086  }
0x1c: {  	p1 =	slt.u32 s9, $0xF7A;
	s5 =	simm.s32 @!p2 $0x0  }
0x1d: {  	s5 =	simm.s32 @p1 $0x1;
	p0 =	seq.s32 s7, s2  }
0x1e: {  	s7 =	smul.u32 @!p0 $0xF7A, s2;
	p2 =	seq.s32 @!p0 s5, $0x0  }
0x1f: {  	s9 =	smul.u32 $0xF7A, s1;
	s8 =	simm.s32 @!p0 $0x1BF5;
	p2 =	por !p2, p0  }
0x20: {  	[sflag:s8] =	ssyncset.s32 @!p0 $0xFFFFF086;
	s6 =	sadd.s32 @!p0 s3, s7;
	s7 =	simm.s32 @!p0 $0x108  }
0x21: {  	s3 =	sadd.s32 s3, s9;
	s6 =	sadd.s32 @!p0 $0x88, s6;
	s7 =	simm.s32 @p2 $0x1082  }
0x22: {  	[simem:s7], [sflag:s8] =	dma.local @!p0 [hbm:s6], $0xF7A  }
0x23: {  	s9 =	sor.u32 $0xD0000000, s2;
	s6 =	simm.s32 $0x108;
	_ =	swait.ge @!p0 [sflag:s8], $0x0  }
0x24: {  	s3 =	sadd.s32 $0x88, s3;
	s6 =	simm.s32 @!p1 $0x1082;
	[sflag:s4] =	ssyncset.s32 $0xFFFFF086  }
0x25: {  	[simem:s6], [sflag:s4] =	dma.local [hbm:s3], $0xF7A  }
0x26: {  	[smem:$0x3F9B] =	sst s1;
	(tag) =	ssettag s2;
	_ =	strace s9  }
0x27: {  	s1 =	sld [smem:$0x3FAB]  }
0x28: {  	s2 =	sld [smem:$0x3FAC]  }
0x29: {  	s4 =	sld [smem:$0x3FAE]  }
0x2a: {  	p0 =	seq.s32 s5, $0x0;
	s5 =	sld [smem:$0x3FAF]  }
0x2b: {  	s6 =	sld [smem:$0x3FB0]  }
0x2c: {  	s7 =	sld [smem:$0x3FB1]  }
0x2d: {  	s3 =	simm.s32 $0x108;
	s8 =	sld [smem:$0x3FB2]  }
0x2e: {  	s3 =	simm.s32 @!p0 $0x1082;
	s9 =	sld [smem:$0x3FB3]  }
0x2f: {  	lr =	sadd.s32 s0, s3;
	s0 =	sld [smem:$0x3FAA]  }
0x30: {  	s3 =	sld [smem:$0x3FAD]  }
0x31: {  	[smem:$0x3FB6] =	sst s10  }
0x32: {  	s10 =	sld [smem:$0x3FB4];
	_ =	sdelay $0x3  }
0x33: {  	p0 =	seq.s32 s10, $0x1;
	s10 =	sld [smem:$0x3FB6];
	_ =	sdelay $0x3  }
0x34: {  	[smem:$0x3FB6] =	sst s10  }
0x35: {  	s10 =	sld [smem:$0x3FB5];
	_ =	sdelay $0x3  }
0x36: {  	p1 =	seq.s32 s10, $0x1;
	s10 =	sld [smem:$0x3FB6];
	_ =	sdelay $0x3  }
0x37: {  	[smem:$0x3FB6] =	sst s10  }
0x38: {  	s10 =	sld [smem:$0x3FB7]  }
0x39: {  	_ = 	snop;
	(pc) =	sbr.ind lr, $3  }
0x3a: {  	_ = 	snop  }
0x3b: {  	_ = 	snop  }
0x3c: {  	p2 =	seq.s32 s10, $0x1;
	s10 =	sld [smem:$0x3FB6]  }
0x3d: {  	_ =	shalt  }
0x3e: {  	_ =	shalt  }
0x3f: {  	_ =	shalt  }
0x40: {  	_ =	shalt  }
0x41: {  	_ =	shalt  }
0x42: {  	_ =	shalt  }
0x43: {  	_ =	shalt  }
0x44: {  	_ =	shalt  }
0x45: {  	_ =	shalt  }
0x46: {  	_ =	shalt  }
0x47: {  	_ =	shalt  }
0x48: {  	_ =	shalt  }
0x49: {  	_ =	shalt  }
0x4a: {  	_ =	shalt  }
0x4b: {  	_ =	shalt  }
0x4c: {  	_ =	shalt  }
0x4d: {  	_ =	shalt  }
0x4e: {  	_ =	shalt  }
0x4f: {  	_ =	shalt  }
0x50: {  	_ =	shalt  }
0x51: {  	_ =	shalt  }
0x52: {  	_ =	shalt  }
0x53: {  	_ =	shalt  }
0x54: {  	_ =	shalt  }
0x55: {  	_ =	shalt  }
0x56: {  	_ =	shalt  }
0x57: {  	_ =	shalt  }
0x58: {  	_ =	shalt  }
0x59: {  	_ =	shalt  }
0x5a: {  	_ =	shalt  }
0x5b: {  	_ =	shalt  }
0x5c: {  	_ =	shalt  }
0x5d: {  	_ =	shalt  }
0x5e: {  	_ =	shalt  }
0x5f: {  	_ =	shalt  }
0x60: {  	_ =	shalt  }
0x61: {  	_ =	shalt  }
0x62: {  	_ =	shalt  }
0x63: {  	_ =	shalt  }
0x64: {  	_ =	shalt  }
0x65: {  	_ =	shalt  }
0x66: {  	_ =	shalt  }
0x67: {  	_ =	shalt  }
0x68: {  	_ =	shalt  }
0x69: {  	_ =	shalt  }
0x6a: {  	_ =	shalt  }
0x6b: {  	_ =	shalt  }
0x6c: {  	_ =	shalt  }
0x6d: {  	_ =	shalt  }
0x6e: {  	_ =	shalt  }
0x6f: {  	_ =	shalt  }
0x70: {  	_ =	shalt  }
0x71: {  	_ =	shalt  }
0x72: {  	_ =	shalt  }
0x73: {  	_ =	shalt  }
0x74: {  	_ =	shalt  }
0x75: {  	_ =	shalt  }
0x76: {  	_ =	shalt  }
0x77: {  	_ =	shalt  }
0x78: {  	_ =	shalt  }
0x79: {  	_ =	shalt  }
0x7a: {  	_ =	shalt  }
0x7b: {  	_ =	shalt  }
0x7c: {  	_ =	shalt  }
0x7d: {  	_ =	shalt  }
0x7e: {  	_ =	shalt  }
0x7f: {  	_ =	shalt  }
0x80: {  	_ =	shalt  }
0x81: {  	_ =	shalt  }
0x82: {  	_ =	shalt  }
0x83: {  	_ =	shalt  }
0x84: {  	_ =	shalt  }
0x85: {  	_ =	shalt  }
0x86: {  	_ =	shalt  }
0x87: {  	_ =	shalt  }
.Lfunc_end0:
.L_simem_size_0:
called_computation_lowered:
.L_overlay_start_0:
0x88: {  	s2 =	sld [smem:$0x3FD9]  }
0x89: {  	s3 =	sld [smem:$0x3FFE];
	_ =	sdelay $0x1  }
0x8a: {  	s1 =	srdreg.scid  }
0x8b: {  	s0 =	sand.u32 $0x1, s1  }
0x8c: {  	s17 =	sshll.u32 s0, $0xA;
	s2 =	sadd.s32 s3, s2  }
0x8d: {  	s2 =	sadd.s32 s2, s17  }
0x8e: {  	[smem:$0x3FC2] =	sst s2  }
0x8f: {  	_ = 	snop  }
0x90: {  	s2 =	sld [smem:$0x3FC6]  }
0x91: {  	s18 =	sld [smem:$0x3FC5]  }
0x92: {  	s4 =	sld [smem:$0x3FD0];
	(tm) =	ssettm $0x1  }
0x93: {  	s5 =	sld [smem:$0x3FFB];
	_ =	sdelay $0x3  }
0x94: {  	_ =	strace s5  }
0x95: {  	s5 =	sld [smem:$0x3FFC];
	_ =	sdelay $0x3  }
0x96: {  	_ =	strace s5  }
0x97: {  	s5 =	sld [smem:$0x3FFD];
	_ =	sdelay $0x3  }
0x98: {  	_ =	strace s5  }
0x99: {  	_ =	strace $0x8FFFFFFF  }
0x9a: {  	s19 =	sld [smem:$0x3FDB];
	_ =	sdelay $0x1  }
0x9b: {  	s6 =	simm.s32 $_scs_section_size  }
0x9c: {  	s7 =	simm.s32 $_size__tile_overlayer_lowered;
	s8 =	simm.s32 $_tile_overlayer_lowered  }
0x9d: {  	s22 =	simm.s32 $0x1BFF;
	s21 =	sshll.u32 s8, $0x1;
	s5 =	sadd.s32 s6, s19  }
0x9e: {  	s9 =	simm.s32 $0x0;
	s20 =	sshll.u32 s7, $0x1;
	s7 =	sadd.s32 s21, s5  }
0x9f: {  	[timem:s9], [sflag:s22] =	dma.local [hbm:s7], s20  }
0xa0: {  	_ =	swait.ge [sflag:s22], s20  }
0xa1: {  	s6 =	ssub.s32 $0x0, s20;
	[sflag:s22] =	ssyncset.done $0x0  }
0xa2: {  	[sflag:s22] =	ssyncadd.s32 s6;
	_ =	sdelay $0x1  }
0xa3: {  	s23 =	simm.s32 $0x1B8B  }
0xa4: {  	_ =	swait.ge [sflag:s23], $0x1  }
0xa5: {  	[sflag:s23] =	ssyncset.done $0x0  }
0xa6: {  	s25 =	simm.s32 $0x1B8E;
	s24 =	sld [smem:$0x3FFE];
	[sflag:s23] =	ssyncadd.s32 $0xFFFFFFFF  }
0xa7: {  	s26 =	simm.s32 $execute0_lowered;
	[smem:$0x3FD2] =	sst s25  }
0xa8: {  	s7 =	sshll.u32 s26, $0x1;
	_ =	strace $0x80000046;
	[dreg:$0x1] =	wrdreg $0xFFFFFFFF  }
0xa9: {  	s28 =	simm.s32 $_size_execute0_lowered;
	s5 =	sadd.s32 s5, s7;
	[dreg:$0x0] =	wrdreg $0x0  }
0xaa: {  	s7 =	sshll.u32 s28, $0x1;
	[dreg:$0x2] =	wrdreg s5  }
0xab: {  	[dreg:$0x3] =	wrdreg s7  }
0xac: {  	[dreg:$0x4] =	wrdreg $0xC0  }
0xad: {  	_ =	task [dreg:s9], $0x5FFFF  }
0xae: {  	[dreg:$0x1] =	wrdreg $0xFFFFFFFF  }
0xaf: {  	[dreg:$0x0] =	wrdreg $0x60  }
0xb0: {  	[dreg:$0x2] =	wrdreg s24  }
0xb1: {  	[dreg:$0x3] =	wrdreg s2  }
0xb2: {  	[dreg:$0x4] =	wrdreg s18  }
0xb3: {  	[dreg:$0x5] =	wrdreg s4  }
0xb4: {  	[dreg:$0x6] =	wrdreg $0x47400  }
0xb5: {  	[dreg:$0x7] =	wrdreg $0x9  }
0xb6: {  	_ =	task.clear_ibuf [dreg:s9], $0x8FFFF;
	_ =	strace $0x90000046  }
0xb7: {  	s29 =	simm.s32 $0x9;
	_ =	strace $0x80000048  }
0xb8: {  	_ =	swait.ge [sflag:s29], $0x1  }
0xb9: {  	[sflag:s29] =	ssyncadd.s32 $0xFFFFFFFF  }
0xba: {  	_ =	strace $0x90000048  }
0xbb: {  	_ =	sfence  }
0xbc: {  	s30 =	sld [smem:$0x0];
	_ =	sdelay $0x2  }
0xbd: {  	s31 =	sshll.u32 s1, $0xD;
	s1 =	sshrl.u32 s1, $0x2  }
0xbe: {  	s3 =	sand.u32 $0x4000, s31;
	s1 =	sadd.s32 s1, s30  }
0xbf: {  	s0 =	sor.u32 s3, s0;
	s1 =	sshll.u32 s1, $0x11  }
0xc0: {  	s0 =	sor.u32 s1, s0  }
0xc1: {  	s0 =	sadd.s32 $0x8F2B, s0  }
0xc2: {  	[sflag:s0] =	ssyncadd.remote.s32 $0x1  }
0xc3: {  	_ =	sfence.sel $0xFFFF  }
0xc4: {  	[dreg:$0x0] =	wrdreg $0xFFFFFFFF;
	(pc) =	sbr.abs _section_cstart, $3  }
0xc5: {  	[dreg:$0x1] =	wrdreg $0xFFFFFFFF  }
0xc6: {  	_ =	task.clear_ibuf [dreg:s9], $0x2FFFF;
	_ =	strace $0x9FFFFFFF  }
0xc7: {  	(tm) =	ssettm $0x7FFFFFFF  }
tec
execute0_lowered:
.L_overlay_start_1:
0x0: {  	(tag) =	ssettag $0x1  }
0x1: {  	s9 =	rddreg [dreg:$0x0]  }
0x2: {  	s1 =	rddreg [dreg:$0x1]  }
0x3: {  	s2 =	rddreg [dreg:$0x2]  }
0x4: {  	s13 =	rddreg [dreg:$0x3]  }
0x5: {  	s4 =	rddreg [dreg:$0x4]  }
0x6: {  	s0 =	rddreg [dreg:$0x5];
	s5 =	simm.s32 $0x0  }
0x7: {  	s3 =	stileid.u32;
	s6 =	srdreg.scid;
	s17 =	simm.s32 $0xA0  }
0x8: {  	s18 =	simm.s32 $0x140;
	s19 =	simm.s32 $0xF0;
	s20 =	simm.s32 $0x1540  }
0x9: {  	s21 =	simm.s32 $0x2940;
	s22 =	simm.s32 $0x1;
	[smem:$0x7FF] =	sst s5  }
0xa: {  	s10 =	smul.u32 $0x186A0, s3;
	s12 =	sand.u32 $0x1, s6;
	s6 =	sadd.s32 $0x24B000, s9  }
0xb: {  	s7 =	sadd.s32 $0x187A00, s9;
	s8 =	sadd.s32 $0x186B000, s9;
	s23 =	smul.u32 $0xC350, s12  }
0xc: {  	s31 =	sshll.u32 s3, $0x6;
	_ =	strace $0x80000047;
	s16 =	smul.u32 $0x30D40, s12  }
0xd: {  	s11 =	ssub.s32 $0x2, s12;
	s12 =	smul.u32 $0xC3500, s12;
	s24 =	sshrl.u32 s10, $0x3  }
0xe: {  	s14 =	sshrl.u32 s11, $0x1;
	s15 =	sadd.s32 s10, s4;
	s10 =	sor.u32 $0x1C02, s31  }
0xf: {  	s9 =	sadd.s32 s24, s9;
	s14 =	ssub.s32 s11, s14;
	s11 =	smul.u32 $0xC350, s3  }
0x10: {  	s25 =	sadd.s32 s13, s16;
	s16 =	simm.s32 $0x50;
	v0 =	vmov s23;
	s23 =	simm.s32 $0x3D40  }
0x11: {  	s9 =	sadd.s32 $0x1000, s9;
	s13 =	smax.u32 s14, $0x1;
	s14 =	sshrl.u32 s15, $0x3  }
0x12: {  	s15 =	simm.s32 $0x2;
	s24 =	sadd.s32 s24, s25;
	s25 =	simm.s32 $0x0  }
.LBB2_1:
0x13: {  	[spmem:s14], [sflag:s10] =	dma.local [hbm:s9], $0x30D4  }
0x14: {  	_ =	swait.ge [sflag:s15], $0x30D4  }
0x15: {  	[sflag:s15] =	ssyncset.done $0x0  }
0x16: {  	[sflag:s15] =	ssyncadd.s32 $0xFFFFCF2C  }
0x17: {  	s26 =	simm.s32 $0x0;
	[bflag:$0x0] =	sbarrier.arrive $0xFFFF  }
.LBB2_2:
0x18: {  	s28 =	smul.u32 $0x50, s26;
	_ =	sdelay $0x1  }
0x19: {  	s28 =	sadd.s32 s11, s28  }
0x1a: {  	s29 =	sshrl.u32 s28, $0x3  }
0x1b: {  	s31 =	simm.s32 $0x0;
	s30 =	sadd.s32 s1, s29  }
0x1c: {  	[tilespmem:s31], [sflag:$0x2] =	stream.linear.gather [hbm4b:s30+s31], $0x50, $0x38;
	[tilespmem:$0x1CDE0] =	vst v63  }
0x1d: {  	_ =	swait.ge [sflag:s15], $0x50  }
0x1e: {  	[sflag:s15] =	ssyncset.done $0x0  }
0x1f: {  	s29 =	sadd.s32 s2, s29;
	[sflag:s15] =	ssyncadd.s32 $0xFFFFFFB0  }
0x20: {  	[tilespmem:s16], [sflag:$0x2] =	stream.linear.gather [hbm4b:s29+s31], $0x50, $0x38;
	[tilespmem:$0x1CDE0] =	vst v63  }
0x21: {  	_ =	swait.ge [sflag:s15], $0x50  }
0x22: {  	[sflag:s15] =	ssyncset.done $0x0  }
0x23: {  	[sflag:s15] =	ssyncadd.s32 $0xFFFFFFB0  }
0x24: {  	v1 =	vld [tilespmem:$0x0]  }
0x25: {  	v2 =	vld [tilespmem:$0x50]  }
0x26: {  	v3 =	vld [tilespmem:$0x10]  }
0x27: {  	v4 =	vld [tilespmem:$0x60]  }
0x28: {  	v5 =	vld [tilespmem:$0x20]  }
0x29: {  	v6 =	vld [tilespmem:$0x70];
	v1 =	vadd.s32 v0, v1  }
0x2a: {  	[tilespmem:$0xA0] =	vst v1;
	v1 =	vadd.s32 v0, v2;
	v2 =	vld [tilespmem:$0x30]  }
0x2b: {  	[tilespmem:$0xF0] =	vst v1;
	v1 =	vadd.s32 v0, v3;
	v3 =	vld [tilespmem:$0x80]  }
0x2c: {  	[tilespmem:$0xB0] =	vst v1;
	v1 =	vadd.s32 v0, v4;
	v4 =	vld [tilespmem:$0x40]  }
0x2d: {  	[tilespmem:$0x100] =	vst v1;
	v1 =	vadd.s32 v0, v5;
	v5 =	vld [tilespmem:$0x90]  }
0x2e: {  	[tilespmem:$0xC0] =	vst v1;
	v1 =	vadd.s32 v0, v6  }
0x2f: {  	[tilespmem:$0x110] =	vst v1;
	v1 =	vadd.s32 v0, v2  }
0x30: {  	[tilespmem:$0xD0] =	vst v1;
	v1 =	vadd.s32 v0, v3  }
0x31: {  	[tilespmem:$0x120] =	vst v1;
	v1 =	vadd.s32 v0, v4  }
0x32: {  	[tilespmem:$0xE0] =	vst v1;
	v1 =	vadd.s32 v0, v5  }
0x33: {  	s28 =	sadd.s32 s12, s28;
	[tilespmem:$0x130] =	vst v1  }
0x34: {  	[tilespmem:s18], [sflag:$0x1] =	stream.indirect.gather [hbm4b:s6+s16], $0x40, s17, s16, $0xb8;
	[tilespmem:$0x1CDE0] =	vst v63  }
0x35: {  	s28 =	sshll.u32 s28, $0x3  }
0x36: {  	[tilespmem:s20], [sflag:$0x1] =	stream.indirect.gather [hbm4b:s7+s16], $0x40, s19, s16, $0xb8;
	[tilespmem:$0x1CDE0] =	vst v63  }
0x37: {  	s28 =	sadd.s32 s8, s28  }
0x38: {  	[tilespmem:s21], [sflag:$0x2] =	stream.linear.gather [hbm4b:s28+s31], $0x1400, $0x38;
	[tilespmem:$0x1CDE0] =	vst v63  }
0x39: {  	_ =	swait.ge [sflag:s15], $0x1400  }
0x3a: {  	[sflag:s15] =	ssyncset.done $0x0  }
0x3b: {  	[sflag:s15] =	ssyncadd.s32 $0xFFFFEC00  }
0x3c: {  	_ =	swait.ge [sflag:s22], $0x1400  }
0x3d: {  	[sflag:s22] =	ssyncset.done $0x0  }
0x3e: {  	[sflag:s22] =	ssyncadd.s32 $0xFFFFEC00  }
0x3f: {  	_ =	swait.ge [sflag:s22], $0x1400  }
0x40: {  	[sflag:s22] =	ssyncset.done $0x0  }
0x41: {  	s28 =	simm.s32 $0x0;
	[sflag:s22] =	ssyncadd.s32 $0xFFFFEC00  }
0x42: {  	v1 =	vld [tilespmem:s28+$0x1570]  }
0x43: {  	v2 =	vld [tilespmem:s28+$0x160]  }
0x44: {  	v3 =	vld [tilespmem:s28+$0x170]  }
0x45: {  	v4 =	vld [tilespmem:s28+$0x1560]  }
0x46: {  	v5 =	vld [tilespmem:s28+$0x2970];
	_ =	sdelay $0x1  }
0x47: {  	v58 =	vld [tilespmem:s28+$0x2960]  }
0x48: {  	v1 =	vadd.f32 v1, v3;
	_ =	sdelay $0x1  }
0x49: {  	v2 =	vadd.f32 v4, v2;
	v1 =	vadd.f32 v5, v1;
	_ =	sdelay $0x1  }
0x4a: {  	v3 =	vadd.f32 v58, v2;
	v2 =	vand.u32 $0x7FFFFFFF, v1  }
0x4b: {  	v2 =	vsub.f32 $0.0e+00, v2  }
0x4c: {  	v4 =	vand.u32 $0x7FFFFFFF, v3  }
0x4d: {  	v4 =	vsub.f32 $0.0e+00, v4;
	v2 =	vmul.f32 $1.442695020e+00, v2;
	_ =	sdelay $0x1  }
0x4e: {  	v4 =	vmul.f32 $1.442695020e+00, v4;
	(erf) = vpow2.f32 v2;
	_ =	sdelay $0x1  }
0x4f: {  	(erf) = vpow2.f32 v4;
	_ =	sdelay $0x6  }
0x50: {  	v2 =	vpop (erf)  }
0x51: {  	v4 =	vmul.f32 $2.000000030e-01, v2  }
0x52: {  	v5 =	vpop (erf)  }
0x53: {  	v7 =	vld [tilespmem:s28+$0x1550];
	v59 =	vmul.f32 $2.000000030e-01, v5;
	v4 =	vadd.f32 $-2.500000000e-01, v4  }
0x54: {  	v8 =	vld [tilespmem:s28+$0x1540]  }
0x55: {  	v9 =	vld [tilespmem:s28+$0x150];
	v6 =	vadd.f32 $-2.500000000e-01, v59;
	v4 =	vmul.f32 v4, v2  }
0x56: {  	v10 =	vld [tilespmem:s28+$0x140]  }
0x57: {  	v11 =	vld [tilespmem:s28+$0x2950];
	v6 =	vmul.f32 v6, v5;
	v4 =	vadd.f32 $3.333333130e-01, v4  }
0x58: {  	v12 =	vld [tilespmem:s28+$0x2940]  }
0x59: {  	v6 =	vadd.f32 $3.333333130e-01, v6;
	v4 =	vmul.f32 v4, v2  }
0x5a: {  	v7 =	vadd.f32 v7, v9  }
0x5b: {  	v8 =	vadd.f32 v8, v10;
	v6 =	vmul.f32 v6, v5;
	v4 =	vadd.f32 $-5.000000000e-01, v4  }
0x5c: {  	v7 =	vadd.f32 v11, v7  }
0x5d: {  	v8 =	vadd.f32 v12, v8;
	v6 =	vadd.f32 $-5.000000000e-01, v6;
	v4 =	vmul.f32 v4, v2  }
0x5e: {  	v7 =	vsub.f32 $0.0e+00, v7  }
0x5f: {  	v8 =	vsub.f32 $0.0e+00, v8;
	v6 =	vmul.f32 v6, v5;
	v4 =	vadd.f32 $1.000000000e+00, v4  }
0x60: {  	v7 =	vmul.f32 $1.442695020e+00, v7  }
0x61: {  	v8 =	vmul.f32 $1.442695020e+00, v8;
	v6 =	vadd.f32 $1.000000000e+00, v6;
	v4 =	vmul.f32 v4, v2  }
0x62: {  	(erf) = vpow2.f32 v7  }
0x63: {  	(erf) = vpow2.f32 v8;
	v6 =	vmul.f32 v6, v5;
	v60 =	vsub.f32 $0.0e+00, v4;
	_ =	sdelay $0x1  }
0x64: {  	v61 =	vsub.f32 $0.0e+00, v6;
	v9 =	vmul.f32 $1.442695020e+00, v60;
	_ =	sdelay $0x1  }
0x65: {  	v7 =	vmul.f32 $1.442695020e+00, v61;
	(erf) = vpow2.f32 v9;
	_ =	sdelay $0x1  }
0x66: {  	(erf) = vpow2.f32 v7;
	_ =	sdelay $0x1  }
0x67: {  	v62 =	vpop (erf)  }
0x68: {  	v8 =	vpop (erf);
	v7 =	vadd.f32 $1.000000000e+00, v62  }
0x69: {  	v8 =	vadd.f32 $1.000000000e+00, v8  }
0x6a: {  	(erf) = vrcp.f32 v7  }
0x6b: {  	v2 =	vadd.f32 $1.000000000e+00, v2;
	(erf) = vrcp.f32 v8  }
0x6c: {  	v9 =	vpop (erf)  }
0x6d: {  	v5 =	vadd.f32 $1.000000000e+00, v5;
	v4 =	vadd.f32 $-1.000000000e+00, v4;
	v2 =	vmul.f32 v9, v2  }
0x6e: {  	v63 =	vpop (erf)  }
0x6f: {  	v6 =	vadd.f32 $-1.000000000e+00, v6;
	v5 =	vmul.f32 v63, v5;
	v4 =	vadd.f32 v2, v4  }
0x70: {  	v1 =	vmax.f32 v1, $0.0e+00  }
0x71: {  	s30 =	simm.s32 $0x100;
	s29 =	simm.s32 $0x3D50;
	s28 =	simm.s32 $0x3D50;
	v3 =	vmax.f32 v3, $0.0e+00;
	v2 =	vadd.f32 v5, v6;
	v1 =	vadd.f32 v4, v1  }
.LBB2_3:
0x72: {  	p0 =	sne.s32 s30, $0x4F00  }
0x73: {  	v2 =	vadd.f32 v2, v3;
	s29 =	sadd.s32 $0x20, s29;
	v3 =	vpop (erf);
	s31 =	smov.u32 s30;
	s30 =	sadd.s32 $0x100, s30  }
0x74: {  	v1 =	vmul.f32 v1, v3;
	v3 =	vpop (erf)  }
0x75: {  	v2 =	vmul.f32 v2, v3  }
0x76: {  	s31 =	sshra.s32 s31, $0x2;
	[tilespmem:s28+$0x0] =	vst v1  }
0x77: {  	[tilespmem:s28+$0xFFFFFFF0] =	vst v2;
	s28 =	smov.u32 s29  }
0x78: {  	v1 =	vld [tilespmem:s31+$0x1570]  }
0x79: {  	v2 =	vld [tilespmem:s31+$0x160]  }
0x7a: {  	v3 =	vld [tilespmem:s31+$0x170]  }
0x7b: {  	v4 =	vld [tilespmem:s31+$0x1560]  }
0x7c: {  	v5 =	vld [tilespmem:s31+$0x2970]  }
0x7d: {  	v6 =	vld [tilespmem:s31+$0x2960];
	_ =	sdelay $0x1  }
0x7e: {  	v1 =	vadd.f32 v1, v3  }
0x7f: {  	v2 =	vadd.f32 v4, v2  }
0x80: {  	v1 =	vadd.f32 v5, v1  }
0x81: {  	v3 =	vadd.f32 v6, v2  }
0x82: {  	v2 =	vand.u32 $0x7FFFFFFF, v1  }
0x83: {  	v4 =	vand.u32 $0x7FFFFFFF, v3;
	v2 =	vsub.f32 $0.0e+00, v2  }
0x84: {  	v4 =	vsub.f32 $0.0e+00, v4  }
0x85: {  	v2 =	vmul.f32 $1.442695020e+00, v2  }
0x86: {  	v4 =	vmul.f32 $1.442695020e+00, v4  }
0x87: {  	(erf) = vpow2.f32 v2  }
0x88: {  	(erf) = vpow2.f32 v4;
	_ =	sdelay $0x7  }
0x89: {  	v2 =	vpop (erf)  }
0x8a: {  	v4 =	vmul.f32 $2.000000030e-01, v2;
	v5 =	vpop (erf)  }
0x8b: {  	v6 =	vld [tilespmem:s31+$0x1550];
	v7 =	vmul.f32 $2.000000030e-01, v5  }
0x8c: {  	v8 =	vld [tilespmem:s31+$0x1540];
	v4 =	vadd.f32 $-2.500000000e-01, v4  }
0x8d: {  	v9 =	vld [tilespmem:s31+$0x150];
	v7 =	vadd.f32 $-2.500000000e-01, v7  }
0x8e: {  	v10 =	vld [tilespmem:s31+$0x140];
	v4 =	vmul.f32 v4, v2  }
0x8f: {  	v11 =	vld [tilespmem:s31+$0x2950];
	v7 =	vmul.f32 v7, v5  }
0x90: {  	v12 =	vld [tilespmem:s31+$0x2940];
	v4 =	vadd.f32 $3.333333130e-01, v4  }
0x91: {  	v7 =	vadd.f32 $3.333333130e-01, v7  }
0x92: {  	v6 =	vadd.f32 v6, v9;
	v4 =	vmul.f32 v4, v2  }
0x93: {  	v8 =	vadd.f32 v8, v10;
	v7 =	vmul.f32 v7, v5  }
0x94: {  	v6 =	vadd.f32 v11, v6;
	v4 =	vadd.f32 $-5.000000000e-01, v4  }
0x95: {  	v8 =	vadd.f32 v12, v8;
	v7 =	vadd.f32 $-5.000000000e-01, v7  }
0x96: {  	v6 =	vsub.f32 $0.0e+00, v6;
	v4 =	vmul.f32 v4, v2  }
0x97: {  	v8 =	vsub.f32 $0.0e+00, v8;
	v7 =	vmul.f32 v7, v5  }
0x98: {  	v6 =	vmul.f32 $1.442695020e+00, v6;
	v4 =	vadd.f32 $1.000000000e+00, v4  }
0x99: {  	v8 =	vmul.f32 $1.442695020e+00, v8;
	v7 =	vadd.f32 $1.000000000e+00, v7  }
0x9a: {  	v4 =	vmul.f32 v4, v2;
	(erf) = vpow2.f32 v6  }
0x9b: {  	v6 =	vmul.f32 v7, v5;
	(erf) = vpow2.f32 v8  }
0x9c: {  	v7 =	vsub.f32 $0.0e+00, v4  }
0x9d: {  	v8 =	vsub.f32 $0.0e+00, v6  }
0x9e: {  	v7 =	vmul.f32 $1.442695020e+00, v7  }
0x9f: {  	v8 =	vmul.f32 $1.442695020e+00, v8  }
0xa0: {  	(erf) = vpow2.f32 v7  }
0xa1: {  	(erf) = vpow2.f32 v8;
	_ =	sdelay $0x1  }
0xa2: {  	v7 =	vpop (erf)  }
0xa3: {  	v7 =	vadd.f32 $1.000000000e+00, v7;
	v8 =	vpop (erf)  }
0xa4: {  	v8 =	vadd.f32 $1.000000000e+00, v8  }
0xa5: {  	(erf) = vrcp.f32 v7  }
0xa6: {  	(erf) = vrcp.f32 v8  }
0xa7: {  	v2 =	vadd.f32 $1.000000000e+00, v2  }
0xa8: {  	v5 =	vadd.f32 $1.000000000e+00, v5;
	v7 =	vpop (erf)  }
.Ltmp0:
0xa9: {  	v4 =	vadd.f32 $-1.000000000e+00, v4;
	v2 =	vmul.f32 v7, v2;
	v7 =	vpop (erf);
	(pc) =	sbr.rel @p0 .LBB2_3-.Ltmp0, $4  }
0xaa: {  	v6 =	vadd.f32 $-1.000000000e+00, v6;
	v5 =	vmul.f32 v7, v5  }
0xab: {  	v4 =	vadd.f32 v2, v4  }
0xac: {  	v1 =	vmax.f32 v1, $0.0e+00;
	v2 =	vadd.f32 v5, v6  }
0xad: {  	v3 =	vmax.f32 v3, $0.0e+00;
	v1 =	vadd.f32 v4, v1  }
0xae: {  	v2 =	vadd.f32 v2, v3;
	v3 =	vpop (erf)  }
0xaf: {  	v1 =	vmul.f32 v1, v3;
	v3 =	vpop (erf)  }
0xb0: {  	s26 =	sadd.s32 $0x1, s26;
	v2 =	vmul.f32 v2, v3  }
0xb1: {  	p0 =	sne.s32 s26, $0x271;
	[tilespmem:s28+$0x0] =	vst v1  }
.Ltmp1:
0xb2: {  	[tilespmem:s28+$0xFFFFFFF0] =	vst v2;
	(pc) =	sbr.rel @p0 .LBB2_2-.Ltmp1, $4  }
0xb3: {  	[spmem:s4] =	stream.indirect.scatter.add.f32 [tilespmem:s23], [sflag:$0x2], $0x20, s5, s16, $0xb8;
	[tilespmem:$0x1CDE0] =	vst v63  }
0xb4: {  	_ =	swait.ge [sflag:s15], $0xA00  }
0xb5: {  	[sflag:s15] =	ssyncset.done $0x0  }
0xb6: {  	[sflag:s15] =	ssyncadd.s32 $0xFFFFF600  }
0xb7: {  	s25 =	sadd.s32 $0x1, s25  }
0xb8: {  	p0 =	sne.s32 s25, s13  }
.Ltmp2:
0xb9: {  	[bflag:$0x0] =	sbarrier.arrive $0xFFFF;
	(pc) =	sbr.rel @p0 .LBB2_1-.Ltmp2, $4  }
0xba: {  	[hbm:s24], [sflag:s10] =	dma.local [spmem:s14], $0x30D4  }
0xbb: {  	_ =	swait.ge [sflag:s15], $0x30D4  }
0xbc: {  	[sflag:s15] =	ssyncset.done $0x0  }
0xbd: {  	[sflag:s15] =	ssyncadd.s32 $0xFFFFCF2C  }
0xbe: {  	_ =	sfence.sel $0x180000  }
0xbf: {  	[bflag:$0x0] =	sbarrier.arrive $0xFFFF  }
0xc0: {  	p0 =	sne.s32 s3, $0x0;
	_ =	strace $0x90000047  }
0xc1: {  	s0 =	sadd.s32 @!p0 $0x100000, s0;
	[bflag:$0x2] =	sbarrier.arrive $0xFFFF  }
0xc2: {  	[sflag:s0] =	ssyncadd.tile.s32 @!p0 $0x1;
	_ =	shalt  }
.Lfunc_end2:
_tile_overlayer_lowered:
.L_overlay_start_2:
0xc3: {  	(tag) =	ssettag $0x2  }
0xc4: {  	s0 =	rddreg [dreg:$0x0];
	s2 =	stileid.u32  }
0xc5: {  	s1 =	rddreg [dreg:$0x1];
	p0 =	sne.s32 s2, $0x0  }
0xc6: {  	s3 =	rddreg [dreg:$0x2];
	[bflag:$0x3] =	sbarrier.arrive $0xFFFF;
	s2 =	simm.s32 @!p0 $0x1C02  }
0xc7: {  	[timem:s3], [sflag:s2] =	dma.local @!p0 [hbm:s0], s1  }
0xc8: {  	s0 =	simm.s32 @!p0 $0x2  }
0xc9: {  	_ =	swait.ge @!p0 [sflag:s0], s1  }
0xca: {  	s1 =	ssub.s32 @!p0 $0x0, s1;
	[sflag:s0] =	ssyncset.done @!p0 $0x0  }
0xcb: {  	[sflag:s0] =	ssyncadd.s32 @!p0 s1  }
0xcc: {  	[bflag:$0x3] =	sbarrier.arrive $0xFFFF  }
0xcd: {  	_ =	shalt  }

</sc_bundles>
